<compile_context>
chip_gen: v7x
topology: tpu7x:2x2x1
jax: 0.10.2.dev20260603
libtpu: 0.0.44.dev20260713+nightly
codegen_flags: <defaults>
</compile_context>

<pallas_src>
import math

import jax
import jax.numpy as jnp
import numpy as np
from jax import lax
from jax.experimental import pallas as pl
from jax.experimental.pallas import tpu as pltpu
from jax.experimental.pallas import tpu_sc as plsc

N = 65536
R = 8
B = 16
LANES = 128
FLAT_ROWS = N * R // LANES
PHS_ROWS = N // LANES
GRID = 4
FB = FLAT_ROWS // GRID
PB = PHS_ROWS // GRID

REF_OSC = np.float32((2.0 * math.pi * 40.0 * 0.001) % (2.0 * math.pi))
STEP = np.float32((math.pi / 4.0) / (N - 1))
C2PI = np.float32(2.0 * math.pi)
R_F = np.float32(R)
DECAY = np.float32(0.95)

_LO = float(REF_OSC)
_HI = float(REF_OSC) + math.pi / 4.0
CENTER = np.float32((_LO + _HI) / 2.0)
CC = np.float32(math.cos((_LO + _HI) / 2.0))
SC_ = np.float32(math.sin((_LO + _HI) / 2.0))
_P2 = np.float32(-0.5)
_P4 = np.float32(1.0 / 24.0)
_P6 = np.float32(-1.0 / 720.0)
_Q3 = np.float32(-1.0 / 6.0)
_Q5 = np.float32(1.0 / 120.0)

E01 = ((np.arange(128)[None, :] // 8) == np.arange(16)[:, None]).astype(np.float32)

_lin8 = np.linspace(0.0, 2.0 * math.pi, 8)
COS8 = [np.float32(v) for v in np.cos(_lin8)]
SIN8 = [np.float32(v) for v in np.sin(_lin8)]

SC_CORES = 2
SC_SUBCORES = 16
SC_WORKERS = SC_CORES * SC_SUBCORES
CH_W = N // SC_WORKERS
CT_W = CH_W // LANES
VL = 16


def _sincos(phi):
    x = phi - CENTER
    x2 = x * x
    cosx = 1.0 + x2 * (_P2 + x2 * (_P4 + x2 * _P6))
    sinx = x * (1.0 + x2 * (_Q3 + x2 * _Q5))
    return SC_ * cosx + CC * sinx, CC * cosx - SC_ * sinx


def _tc_body(spk16_ref, spkd_ref, e01_ref, pe_ref, phs_ref, lsp_ref):
    g = pl.program_id(0)

    rows_d = lax.broadcasted_iota(jnp.int32, (PB, LANES), 0)
    lane_d = lax.broadcasted_iota(jnp.int32, (PB, LANES), 1)
    i_d = ((g * PB + rows_d) * LANES + lane_d).astype(jnp.float32)
    phid = REF_OSC + i_d * STEP
    phs_ref[...] = phid
    maskd = spkd_ref[...] > 0
    lsp_ref[...] = jnp.where(maskd, phid, -jnp.inf)

    rows_f = lax.broadcasted_iota(jnp.int32, (FB, LANES), 0)
    lane_f = lax.broadcasted_iota(jnp.int32, (FB, LANES), 1)
    i_f = ((g * FB + rows_f) * (LANES // R) + (lane_f >> 3)).astype(jnp.float32)
    k_f = (lane_f & 7).astype(jnp.float32)
    phif = REF_OSC + i_f * STEP
    binf = jnp.floor(phif / C2PI * R_F)
    m16 = (spk16_ref[...] > 0).astype(jnp.float32)
    mrep = lax.dot_general(
        m16, e01_ref[...], (((1,), (0,)), ((), ())),
        preferred_element_type=jnp.float32)
    flat = (DECAY * mrep) * (binf == k_f).astype(jnp.float32)
    pe_ref[...] = jnp.broadcast_to(flat[None, :, None, :], (2, FB, R, LANES))


def _run_tc(spk16, spkd, e01):
    return pl.pallas_call(
        _tc_body,
        grid=(GRID,),
        in_specs=[
            pl.BlockSpec((FB, 16), lambda g: (g, 0)),
            pl.BlockSpec((PB, LANES), lambda g: (g, 0)),
            pl.BlockSpec((16, LANES), lambda g: (0, 0)),
        ],
        out_specs=[
            pl.BlockSpec((2, FB, R, LANES), lambda g: (0, g, 0, 0)),
            pl.BlockSpec((PB, LANES), lambda g: (g, 0)),
            pl.BlockSpec((PB, LANES), lambda g: (g, 0)),
        ],
        out_shape=[
            jax.ShapeDtypeStruct((2, FLAT_ROWS, R, LANES), jnp.float32),
            jax.ShapeDtypeStruct((PHS_ROWS, LANES), jnp.float32),
            jax.ShapeDtypeStruct((PHS_ROWS, LANES), jnp.float32),
        ],
        compiler_params=pltpu.CompilerParams(
            dimension_semantics=("parallel",)),
    )(spk16, spkd, e01)


def _sc_kernel_body(spk_hbm, pb_hbm, pw_hbm, spk_v, pb_v, pw_v, sem):
    wid = lax.axis_index("s") * SC_CORES + lax.axis_index("c")
    ch_base = wid * CH_W
    ct_base = wid * CT_W
    pltpu.async_copy(spk_hbm.at[pl.ds(ch_base, CH_W)], spk_v, sem).wait()

    zero16 = jnp.zeros((VL,), jnp.float32)

    @pl.loop(0, CT_W)
    def _(ctl):
        @pl.loop(0, LANES, step=VL)
        def _(ch):
            loc = ctl * LANES + ch
            i16 = ((ch_base + loc)
                   + lax.iota(jnp.int32, VL)).astype(jnp.float32)
            phi = REF_OSC + i16 * STEP
            t = phi / C2PI * R_F
            hi = t >= np.float32(1.0)
            m = spk_v[pl.ds(loc, VL)] > 0
            mval = jnp.where(m, DECAY, np.float32(0.0))
            v1 = jnp.where(hi, mval, np.float32(0.0))
            pb_v[ctl, 0, pl.ds(ch, VL)] = mval - v1
            pb_v[ctl, 1, pl.ds(ch, VL)] = v1
            for k in range(2, R):
                pb_v[ctl, k, pl.ds(ch, VL)] = zero16
            sphi, cphi = _sincos(phi)
            for k in range(R):
                pw_v[ctl, k, pl.ds(ch, VL)] = cphi * COS8[k] + sphi * SIN8[k]

    pltpu.async_copy(pb_v, pb_hbm.at[pl.ds(ct_base, CT_W)], sem).wait()
    pltpu.async_copy(pw_v, pw_hbm.at[pl.ds(ct_base, CT_W)], sem).wait()


def _run_sc(row0):
    mesh = plsc.VectorSubcoreMesh(core_axis_name="c", subcore_axis_name="s")
    f = pl.kernel(
        _sc_kernel_body,
        out_type=[
            jax.ShapeDtypeStruct((PHS_ROWS, R, LANES), jnp.float32),
            jax.ShapeDtypeStruct((PHS_ROWS, R, LANES), jnp.float32),
        ],
        mesh=mesh,
        scratch_types=[
            pltpu.VMEM((CH_W,), jnp.float32),
            pltpu.VMEM((CT_W, R, LANES), jnp.float32),
            pltpu.VMEM((CT_W, R, LANES), jnp.float32),
            pltpu.SemaphoreType.DMA,
        ],
    )
    return f(row0)


def kernel(input_spikes, current_time):
    row0 = input_spikes[0]
    spk16 = row0.reshape(FLAT_ROWS, 16)
    spkd = row0.reshape(PHS_ROWS, LANES)
    pe4, phs, lsp = _run_tc(spk16, spkd, jnp.asarray(E01))
    pb3, pw3 = _run_sc(row0)
    phase_encoded = jnp.transpose(pe4, (0, 2, 1, 3)).reshape(B, N * R)
    current_phases = phs.reshape(N)
    phase_bins = jnp.transpose(pb3, (0, 2, 1)).reshape(N, R)
    reference_phase = jnp.asarray(REF_OSC, dtype=jnp.float32)
    last_spike_phases = lsp.reshape(N)
    phase_weights = jnp.transpose(pw3, (0, 2, 1)).reshape(N, R)
    return (phase_encoded, current_phases, phase_bins, reference_phase,
            last_spike_phases, phase_weights)

# --- scband reference (transcript-rebuilt; emitter-appended) ---
"""Pipeline reference for scband-phase-encoder-81226421502239 (READ-ONLY COPY).

The authoritative reference and input builder live on the scoring server;
editing this copy changes nothing except your own understanding.
"""

import math
import jax, jax.numpy as jnp
import numpy as np

INPUT_SIZE = 65536
PHASE_RESOLUTION = 8
REFERENCE_FREQUENCY = 40.0
BATCH = 16


def setup_inputs(seed: int = 0) -> dict:
    key = jax.random.key(seed)
    input_spikes = jax.random.normal(key, (BATCH, INPUT_SIZE), dtype=jnp.float32)
    return {"input_spikes": input_spikes, "current_time": 1}


def reference(input_spikes, current_time):
    # Faithful JAX translation of PhaseEncoder.forward with buffers at their
    # initial (zero) state, vectorizing the per-channel python loop.
    dt = 0.001
    batch_size = input_spikes.shape[0]
    input_size = input_spikes.shape[1]
    omega = 2.0 * math.pi * REFERENCE_FREQUENCY
    # reference_oscillator buffer starts at 0.0
    reference_oscillator = (0.0 + omega * dt) % (2.0 * math.pi)
    phase_offsets = jnp.linspace(0.0, math.pi / 4.0, input_size)
    current_phases = (reference_oscillator + phase_offsets) % (2.0 * math.pi)
    spike_mask = input_spikes[0] > 0
    # phase_bin = int(current_phase / (2*pi) * R), clipped to R-1
    phase_bin = jnp.floor(current_phases / (2.0 * math.pi) * PHASE_RESOLUTION).astype(jnp.int32)
    phase_bin = jnp.clip(phase_bin, 0, PHASE_RESOLUTION - 1)
    one_hot = jax.nn.one_hot(phase_bin, PHASE_RESOLUTION, dtype=jnp.float32)
    # phase_bins buffer starts at zeros; +1.0 at (i, bin) only where spike
    phase_bins = spike_mask[:, None].astype(jnp.float32) * one_hot
    # decay
    phase_bins = phase_bins * 0.95
    # last_spike_phases buffer starts at -inf; overwritten where spiking
    last_spike_phases = jnp.where(spike_mask, current_phases, -jnp.inf)
    # phase_encoded[b] = phase_bins.flatten() for every b
    flat = phase_bins.reshape(-1)
    phase_encoded = jnp.broadcast_to(flat[None, :], (batch_size, input_size * PHASE_RESOLUTION))
    phase_weights = jnp.cos(current_phases[:, None] - jnp.linspace(0.0, 2.0 * math.pi, PHASE_RESOLUTION))
    weighted_output = phase_weights * phase_bins  # computed in original forward (unused in return)
    reference_phase = jnp.asarray(reference_oscillator, dtype=jnp.float32)
    # (phase_encoded, phase_info) -> flatten dict values into a tuple of arrays
    return (phase_encoded, current_phases, phase_bins, reference_phase, last_spike_phases, phase_weights)

if __name__ == "__main__":
    import jax
    _d = setup_inputs()
    print(jax.jit(kernel)(*tuple(_d.values())))

</pallas_src>

<mosaic_0001>
#map = affine_map<(d0, d1) -> (0)>
#map1 = affine_map<(d0, d1) -> (0, 0, 0)>
module attributes {stable_mosaic.version = 14 : i64} {
  func.func @_sc_kernel_body(%arg0: i32, %arg1: i32, %arg2: memref<65536xf32, #tpu.memory_space<hbm>>, %arg3: memref<512x8x128xf32, #tpu.memory_space<hbm>>, %arg4: memref<512x8x128xf32, #tpu.memory_space<hbm>>, %arg5: memref<2048xf32, #tpu.memory_space<vmem>>, %arg6: memref<16x8x128xf32, #tpu.memory_space<vmem>>, %arg7: memref<16x8x128xf32, #tpu.memory_space<vmem>>, %arg8: memref<!tpu.dma_semaphore, #tpu.memory_space<semaphore_mem>>) attributes {dimension_semantics = [#tpu.dimension_semantics<core_parallel>, #tpu.dimension_semantics<subcore_parallel>], iteration_bounds = array<i64: 2, 16>, scalar_prefetch = 0 : i64, scratch_operands = 4 : i64, tpu.core_type = #tpu.core_type<sc_vector_subcore>, window_params = [{transform_indices = #map}, {transform_indices = #map1}, {transform_indices = #map1}]} {
    %mul3A = arith.constant 2 : i32
    %mul3A_0 = arith.muli %arg1, %mul3A : i32
    %add3A = arith.addi %mul3A_0, %arg0 : i32
    %mul3A_1 = arith.constant 2048 : i32
    %mul3A_2 = arith.muli %add3A, %mul3A_1 : i32
    %mul3A_3 = arith.constant 16 : i32
    %mul3A_4 = arith.muli %add3A, %mul3A_3 : i32
    %dma_start3A = tpu.memref_slice %arg2[%mul3A_2] : memref<65536xf32, #tpu.memory_space<hbm>> -> memref<2048xf32, #tpu.memory_space<hbm>>
    %dma_start3A_5 = tpu.memref_slice %arg2[%mul3A_2] : memref<65536xf32, #tpu.memory_space<hbm>> -> memref<2048xf32, #tpu.memory_space<hbm>>
    tpu.enqueue_dma source(%dma_start3A_5 : memref<2048xf32, #tpu.memory_space<hbm>>) target(%arg5 : memref<2048xf32, #tpu.memory_space<vmem>>) target_semaphore(%arg8 : memref<!tpu.dma_semaphore, #tpu.memory_space<semaphore_mem>>)
    %dma_wait3A = tpu.memref_slice %arg2[%mul3A_2] : memref<65536xf32, #tpu.memory_space<hbm>> -> memref<2048xf32, #tpu.memory_space<hbm>>
    %dma_wait3A_6 = tpu.memref_slice %arg2[%mul3A_2] : memref<65536xf32, #tpu.memory_space<hbm>> -> memref<2048xf32, #tpu.memory_space<hbm>>
    tpu.wait_dma2 semaphore(%arg8 : memref<!tpu.dma_semaphore, #tpu.memory_space<semaphore_mem>>) src(%dma_wait3A_6 : memref<2048xf32, #tpu.memory_space<hbm>>) dst(%arg5 : memref<2048xf32, #tpu.memory_space<vmem>>)
    %broadcast_in_dim3A = arith.constant 0.000000e+00 : f32
    %broadcast_in_dim3A_7 = vector.broadcast %broadcast_in_dim3A : f32 to vector<16xf32>
    %scan3A = arith.constant 0 : i32
    %scan3A_8 = arith.constant 16 : i32
    %scan3A_9 = arith.addi %scan3A, %scan3A_8 : i32
    %scan3A_10 = arith.constant 1 : i32
    scf.for %scan3A_36 = %scan3A to %scan3A_9 step %scan3A_10  : i32 {
      %mul3A_37 = arith.constant 1 : i32
      %mul3A_38 = arith.muli %scan3A_36, %mul3A_37 : i32
      %add3A_39 = arith.constant 0 : i32
      %add3A_40 = arith.addi %add3A_39, %mul3A_38 : i32
      %scan3A_41 = arith.constant 0 : i32
      %scan3A_42 = arith.constant 8 : i32
      %scan3A_43 = arith.addi %scan3A_41, %scan3A_42 : i32
      %scan3A_44 = arith.constant 1 : i32
      scf.for %scan3A_46 = %scan3A_41 to %scan3A_43 step %scan3A_44  : i32 {
        %mul3A_47 = arith.constant 16 : i32
        %mul3A_48 = arith.muli %scan3A_46, %mul3A_47 : i32
        %add3A_49 = arith.constant 0 : i32
        %add3A_50 = arith.addi %add3A_49, %mul3A_48 : i32
        %mul3A_51 = arith.constant 128 : i32
        %mul3A_52 = arith.muli %add3A_40, %mul3A_51 : i32
        %add3A_53 = arith.addi %mul3A_52, %add3A_50 : i32
        %add3A_54 = arith.addi %mul3A_2, %add3A_53 : i32
        %iota3A = tpu.iota {dimensions = array<i32: 0>} : vector<16xi32>
        %add3A_55 = vector.broadcast %add3A_54 : i32 to vector<16xi32>
        %add3A_56 = arith.addi %add3A_55, %iota3A : vector<16xi32>
        %convert_element_type3A = arith.sitofp %add3A_56 : vector<16xi32> to vector<16xf32>
        %mul3A_57 = arith.constant 1.1984408E-5 : f32
        %mul3A_58 = vector.broadcast %mul3A_57 : f32 to vector<16xf32>
        %mul3A_59 = arith.mulf %convert_element_type3A, %mul3A_58 : vector<16xf32>
        %add3A_60 = arith.constant 0.251327425 : f32
        %add3A_61 = vector.broadcast %add3A_60 : f32 to vector<16xf32>
        %add3A_62 = arith.addf %add3A_61, %mul3A_59 : vector<16xf32>
        %div3A = arith.constant 6.28318548 : f32
        %div3A_63 = vector.broadcast %div3A : f32 to vector<16xf32>
        %div3A_64 = arith.divf %add3A_62, %div3A_63 : vector<16xf32>
        %mul3A_65 = arith.constant 8.000000e+00 : f32
        %mul3A_66 = vector.broadcast %mul3A_65 : f32 to vector<16xf32>
        %mul3A_67 = arith.mulf %div3A_64, %mul3A_66 : vector<16xf32>
        %ge3A = arith.constant 1.000000e+00 : f32
        %ge3A_68 = vector.broadcast %ge3A : f32 to vector<16xf32>
        %ge3A_69 = arith.cmpf oge, %mul3A_67, %ge3A_68 : vector<16xf32>
        %get3A = arith.index_cast %add3A_53 : i32 to index
        %get3A_70 = tpu.vector_load %arg5[%get3A] {strides = array<i32>} : memref<2048xf32, #tpu.memory_space<vmem>>, vector<16xf32>,
        %get3A_71 = vector.shape_cast %get3A_70 : vector<16xf32> to vector<16xf32>
        %gt3A = arith.constant 0.000000e+00 : f32
        %gt3A_72 = vector.broadcast %gt3A : f32 to vector<16xf32>
        %gt3A_73 = arith.cmpf ogt, %get3A_71, %gt3A_72 : vector<16xf32>
        %jit3A = arith.constant 0.949999988 : f32
        %jit3A_74 = arith.constant 0.000000e+00 : f32
        %broadcast_in_dim3A_75 = vector.broadcast %jit3A : f32 to vector<16xf32>
        %broadcast_in_dim3A_76 = vector.broadcast %jit3A_74 : f32 to vector<16xf32>
        %select_n3A = arith.select %gt3A_73, %broadcast_in_dim3A_75, %broadcast_in_dim3A_76 : vector<16xi1>, vector<16xf32>
        %jit3A_77 = arith.constant 0.000000e+00 : f32
        %broadcast_in_dim3A_78 = vector.broadcast %jit3A_77 : f32 to vector<16xf32>
        %select_n3A_79 = arith.select %ge3A_69, %select_n3A, %broadcast_in_dim3A_78 : vector<16xi1>, vector<16xf32>
        %sub3A = arith.subf %select_n3A, %select_n3A_79 : vector<16xf32>
        %swap3A = arith.constant 0 : i32
        %swap3A_80 = arith.index_cast %add3A_40 : i32 to index
        %swap3A_81 = arith.index_cast %swap3A : i32 to index
        %swap3A_82 = arith.index_cast %add3A_50 : i32 to index
        %swap3A_83 = tpu.vector_load %arg6[%swap3A_80, %swap3A_81, %swap3A_82] {strides = array<i32>} : memref<16x8x128xf32, #tpu.memory_space<vmem>>, vector<1x1x16xf32>,
        %swap3A_84 = vector.shape_cast %swap3A_83 : vector<1x1x16xf32> to vector<16xf32>
        %swap3A_85 = vector.shape_cast %sub3A : vector<16xf32> to vector<1x1x16xf32>
        tpu.vector_store %arg6[%swap3A_80, %swap3A_81, %swap3A_82], %swap3A_85 {strides = array<i32>} : memref<16x8x128xf32, #tpu.memory_space<vmem>>, vector<1x1x16xf32>,
        %swap3A_86 = arith.constant 1 : i32
        %swap3A_87 = arith.index_cast %add3A_40 : i32 to index
        %swap3A_88 = arith.index_cast %swap3A_86 : i32 to index
        %swap3A_89 = arith.index_cast %add3A_50 : i32 to index
        %swap3A_90 = tpu.vector_load %arg6[%swap3A_87, %swap3A_88, %swap3A_89] {strides = array<i32>} : memref<16x8x128xf32, #tpu.memory_space<vmem>>, vector<1x1x16xf32>,
        %swap3A_91 = vector.shape_cast %swap3A_90 : vector<1x1x16xf32> to vector<16xf32>
        %swap3A_92 = vector.shape_cast %select_n3A_79 : vector<16xf32> to vector<1x1x16xf32>
        tpu.vector_store %arg6[%swap3A_87, %swap3A_88, %swap3A_89], %swap3A_92 {strides = array<i32>} : memref<16x8x128xf32, #tpu.memory_space<vmem>>, vector<1x1x16xf32>,
        %swap3A_93 = arith.constant 2 : i32
        %swap3A_94 = arith.index_cast %add3A_40 : i32 to index
        %swap3A_95 = arith.index_cast %swap3A_93 : i32 to index
        %swap3A_96 = arith.index_cast %add3A_50 : i32 to index
        %swap3A_97 = tpu.vector_load %arg6[%swap3A_94, %swap3A_95, %swap3A_96] {strides = array<i32>} : memref<16x8x128xf32, #tpu.memory_space<vmem>>, vector<1x1x16xf32>,
        %swap3A_98 = vector.shape_cast %swap3A_97 : vector<1x1x16xf32> to vector<16xf32>
        %swap3A_99 = vector.shape_cast %broadcast_in_dim3A_7 : vector<16xf32> to vector<1x1x16xf32>
        tpu.vector_store %arg6[%swap3A_94, %swap3A_95, %swap3A_96], %swap3A_99 {strides = array<i32>} : memref<16x8x128xf32, #tpu.memory_space<vmem>>, vector<1x1x16xf32>,
        %swap3A_100 = arith.constant 3 : i32
        %swap3A_101 = arith.index_cast %add3A_40 : i32 to index
        %swap3A_102 = arith.index_cast %swap3A_100 : i32 to index
        %swap3A_103 = arith.index_cast %add3A_50 : i32 to index
        %swap3A_104 = tpu.vector_load %arg6[%swap3A_101, %swap3A_102, %swap3A_103] {strides = array<i32>} : memref<16x8x128xf32, #tpu.memory_space<vmem>>, vector<1x1x16xf32>,
        %swap3A_105 = vector.shape_cast %swap3A_104 : vector<1x1x16xf32> to vector<16xf32>
        %swap3A_106 = vector.shape_cast %broadcast_in_dim3A_7 : vector<16xf32> to vector<1x1x16xf32>
        tpu.vector_store %arg6[%swap3A_101, %swap3A_102, %swap3A_103], %swap3A_106 {strides = array<i32>} : memref<16x8x128xf32, #tpu.memory_space<vmem>>, vector<1x1x16xf32>,
        %swap3A_107 = arith.constant 4 : i32
        %swap3A_108 = arith.index_cast %add3A_40 : i32 to index
        %swap3A_109 = arith.index_cast %swap3A_107 : i32 to index
        %swap3A_110 = arith.index_cast %add3A_50 : i32 to index
        %swap3A_111 = tpu.vector_load %arg6[%swap3A_108, %swap3A_109, %swap3A_110] {strides = array<i32>} : memref<16x8x128xf32, #tpu.memory_space<vmem>>, vector<1x1x16xf32>,
        %swap3A_112 = vector.shape_cast %swap3A_111 : vector<1x1x16xf32> to vector<16xf32>
        %swap3A_113 = vector.shape_cast %broadcast_in_dim3A_7 : vector<16xf32> to vector<1x1x16xf32>
        tpu.vector_store %arg6[%swap3A_108, %swap3A_109, %swap3A_110], %swap3A_113 {strides = array<i32>} : memref<16x8x128xf32, #tpu.memory_space<vmem>>, vector<1x1x16xf32>,
        %swap3A_114 = arith.constant 5 : i32
        %swap3A_115 = arith.index_cast %add3A_40 : i32 to index
        %swap3A_116 = arith.index_cast %swap3A_114 : i32 to index
        %swap3A_117 = arith.index_cast %add3A_50 : i32 to index
        %swap3A_118 = tpu.vector_load %arg6[%swap3A_115, %swap3A_116, %swap3A_117] {strides = array<i32>} : memref<16x8x128xf32, #tpu.memory_space<vmem>>, vector<1x1x16xf32>,
        %swap3A_119 = vector.shape_cast %swap3A_118 : vector<1x1x16xf32> to vector<16xf32>
        %swap3A_120 = vector.shape_cast %broadcast_in_dim3A_7 : vector<16xf32> to vector<1x1x16xf32>
        tpu.vector_store %arg6[%swap3A_115, %swap3A_116, %swap3A_117], %swap3A_120 {strides = array<i32>} : memref<16x8x128xf32, #tpu.memory_space<vmem>>, vector<1x1x16xf32>,
        %swap3A_121 = arith.constant 6 : i32
        %swap3A_122 = arith.index_cast %add3A_40 : i32 to index
        %swap3A_123 = arith.index_cast %swap3A_121 : i32 to index
        %swap3A_124 = arith.index_cast %add3A_50 : i32 to index
        %swap3A_125 = tpu.vector_load %arg6[%swap3A_122, %swap3A_123, %swap3A_124] {strides = array<i32>} : memref<16x8x128xf32, #tpu.memory_space<vmem>>, vector<1x1x16xf32>,
        %swap3A_126 = vector.shape_cast %swap3A_125 : vector<1x1x16xf32> to vector<16xf32>
        %swap3A_127 = vector.shape_cast %broadcast_in_dim3A_7 : vector<16xf32> to vector<1x1x16xf32>
        tpu.vector_store %arg6[%swap3A_122, %swap3A_123, %swap3A_124], %swap3A_127 {strides = array<i32>} : memref<16x8x128xf32, #tpu.memory_space<vmem>>, vector<1x1x16xf32>,
        %swap3A_128 = arith.constant 7 : i32
        %swap3A_129 = arith.index_cast %add3A_40 : i32 to index
        %swap3A_130 = arith.index_cast %swap3A_128 : i32 to index
        %swap3A_131 = arith.index_cast %add3A_50 : i32 to index
        %swap3A_132 = tpu.vector_load %arg6[%swap3A_129, %swap3A_130, %swap3A_131] {strides = array<i32>} : memref<16x8x128xf32, #tpu.memory_space<vmem>>, vector<1x1x16xf32>,
        %swap3A_133 = vector.shape_cast %swap3A_132 : vector<1x1x16xf32> to vector<16xf32>
        %swap3A_134 = vector.shape_cast %broadcast_in_dim3A_7 : vector<16xf32> to vector<1x1x16xf32>
        tpu.vector_store %arg6[%swap3A_129, %swap3A_130, %swap3A_131], %swap3A_134 {strides = array<i32>} : memref<16x8x128xf32, #tpu.memory_space<vmem>>, vector<1x1x16xf32>,
        %sub3A_135 = arith.constant 0.644026518 : f32
        %sub3A_136 = vector.broadcast %sub3A_135 : f32 to vector<16xf32>
        %sub3A_137 = arith.subf %add3A_62, %sub3A_136 : vector<16xf32>
        %mul3A_138 = arith.mulf %sub3A_137, %sub3A_137 : vector<16xf32>
        %mul3A_139 = arith.constant -0.00138888892 : f32
        %mul3A_140 = vector.broadcast %mul3A_139 : f32 to vector<16xf32>
        %mul3A_141 = arith.mulf %mul3A_138, %mul3A_140 : vector<16xf32>
        %add3A_142 = arith.constant 0.0416666679 : f32
        %add3A_143 = vector.broadcast %add3A_142 : f32 to vector<16xf32>
        %add3A_144 = arith.addf %add3A_143, %mul3A_141 : vector<16xf32>
        %mul3A_145 = arith.mulf %mul3A_138, %add3A_144 : vector<16xf32>
        %add3A_146 = arith.constant -5.000000e-01 : f32
        %add3A_147 = vector.broadcast %add3A_146 : f32 to vector<16xf32>
        %add3A_148 = arith.addf %add3A_147, %mul3A_145 : vector<16xf32>
        %mul3A_149 = arith.mulf %mul3A_138, %add3A_148 : vector<16xf32>
        %add3A_150 = arith.constant 1.000000e+00 : f32
        %add3A_151 = vector.broadcast %add3A_150 : f32 to vector<16xf32>
        %add3A_152 = arith.addf %add3A_151, %mul3A_149 : vector<16xf32>
        %mul3A_153 = arith.constant 0.00833333377 : f32
        %mul3A_154 = vector.broadcast %mul3A_153 : f32 to vector<16xf32>
        %mul3A_155 = arith.mulf %mul3A_138, %mul3A_154 : vector<16xf32>
        %add3A_156 = arith.constant -0.166666672 : f32
        %add3A_157 = vector.broadcast %add3A_156 : f32 to vector<16xf32>
        %add3A_158 = arith.addf %add3A_157, %mul3A_155 : vector<16xf32>
        %mul3A_159 = arith.mulf %mul3A_138, %add3A_158 : vector<16xf32>
        %add3A_160 = arith.constant 1.000000e+00 : f32
        %add3A_161 = vector.broadcast %add3A_160 : f32 to vector<16xf32>
        %add3A_162 = arith.addf %add3A_161, %mul3A_159 : vector<16xf32>
        %mul3A_163 = arith.mulf %sub3A_137, %add3A_162 : vector<16xf32>
        %mul3A_164 = arith.constant 0.600420237 : f32
        %mul3A_165 = vector.broadcast %mul3A_164 : f32 to vector<16xf32>
        %mul3A_166 = arith.mulf %mul3A_165, %add3A_152 : vector<16xf32>
        %mul3A_167 = arith.constant 0.799684643 : f32
        %mul3A_168 = vector.broadcast %mul3A_167 : f32 to vector<16xf32>
        %mul3A_169 = arith.mulf %mul3A_168, %mul3A_163 : vector<16xf32>
        %add3A_170 = arith.addf %mul3A_166, %mul3A_169 : vector<16xf32>
        %mul3A_171 = arith.constant 0.799684643 : f32
        %mul3A_172 = vector.broadcast %mul3A_171 : f32 to vector<16xf32>
        %mul3A_173 = arith.mulf %mul3A_172, %add3A_152 : vector<16xf32>
        %mul3A_174 = arith.constant 0.600420237 : f32
        %mul3A_175 = vector.broadcast %mul3A_174 : f32 to vector<16xf32>
        %mul3A_176 = arith.mulf %mul3A_175, %mul3A_163 : vector<16xf32>
        %sub3A_177 = arith.subf %mul3A_173, %mul3A_176 : vector<16xf32>
        %mul3A_178 = arith.constant 1.000000e+00 : f32
        %mul3A_179 = vector.broadcast %mul3A_178 : f32 to vector<16xf32>
        %mul3A_180 = arith.mulf %sub3A_177, %mul3A_179 : vector<16xf32>
        %mul3A_181 = arith.constant 0.000000e+00 : f32
        %mul3A_182 = vector.broadcast %mul3A_181 : f32 to vector<16xf32>
        %mul3A_183 = arith.mulf %add3A_170, %mul3A_182 : vector<16xf32>
        %add3A_184 = arith.addf %mul3A_180, %mul3A_183 : vector<16xf32>
        %swap3A_185 = arith.constant 0 : i32
        %swap3A_186 = arith.index_cast %add3A_40 : i32 to index
        %swap3A_187 = arith.index_cast %swap3A_185 : i32 to index
        %swap3A_188 = arith.index_cast %add3A_50 : i32 to index
        %swap3A_189 = tpu.vector_load %arg7[%swap3A_186, %swap3A_187, %swap3A_188] {strides = array<i32>} : memref<16x8x128xf32, #tpu.memory_space<vmem>>, vector<1x1x16xf32>,
        %swap3A_190 = vector.shape_cast %swap3A_189 : vector<1x1x16xf32> to vector<16xf32>
        %swap3A_191 = vector.shape_cast %add3A_184 : vector<16xf32> to vector<1x1x16xf32>
        tpu.vector_store %arg7[%swap3A_186, %swap3A_187, %swap3A_188], %swap3A_191 {strides = array<i32>} : memref<16x8x128xf32, #tpu.memory_space<vmem>>, vector<1x1x16xf32>,
        %mul3A_192 = arith.constant 0.623489797 : f32
        %mul3A_193 = vector.broadcast %mul3A_192 : f32 to vector<16xf32>
        %mul3A_194 = arith.mulf %sub3A_177, %mul3A_193 : vector<16xf32>
        %mul3A_195 = arith.constant 0.781831503 : f32
        %mul3A_196 = vector.broadcast %mul3A_195 : f32 to vector<16xf32>
        %mul3A_197 = arith.mulf %add3A_170, %mul3A_196 : vector<16xf32>
        %add3A_198 = arith.addf %mul3A_194, %mul3A_197 : vector<16xf32>
        %swap3A_199 = arith.constant 1 : i32
        %swap3A_200 = arith.index_cast %add3A_40 : i32 to index
        %swap3A_201 = arith.index_cast %swap3A_199 : i32 to index
        %swap3A_202 = arith.index_cast %add3A_50 : i32 to index
        %swap3A_203 = tpu.vector_load %arg7[%swap3A_200, %swap3A_201, %swap3A_202] {strides = array<i32>} : memref<16x8x128xf32, #tpu.memory_space<vmem>>, vector<1x1x16xf32>,
        %swap3A_204 = vector.shape_cast %swap3A_203 : vector<1x1x16xf32> to vector<16xf32>
        %swap3A_205 = vector.shape_cast %add3A_198 : vector<16xf32> to vector<1x1x16xf32>
        tpu.vector_store %arg7[%swap3A_200, %swap3A_201, %swap3A_202], %swap3A_205 {strides = array<i32>} : memref<16x8x128xf32, #tpu.memory_space<vmem>>, vector<1x1x16xf32>,
        %mul3A_206 = arith.constant -0.222520933 : f32
        %mul3A_207 = vector.broadcast %mul3A_206 : f32 to vector<16xf32>
        %mul3A_208 = arith.mulf %sub3A_177, %mul3A_207 : vector<16xf32>
        %mul3A_209 = arith.constant 0.974927902 : f32
        %mul3A_210 = vector.broadcast %mul3A_209 : f32 to vector<16xf32>
        %mul3A_211 = arith.mulf %add3A_170, %mul3A_210 : vector<16xf32>
        %add3A_212 = arith.addf %mul3A_208, %mul3A_211 : vector<16xf32>
        %swap3A_213 = arith.constant 2 : i32
        %swap3A_214 = arith.index_cast %add3A_40 : i32 to index
        %swap3A_215 = arith.index_cast %swap3A_213 : i32 to index
        %swap3A_216 = arith.index_cast %add3A_50 : i32 to index
        %swap3A_217 = tpu.vector_load %arg7[%swap3A_214, %swap3A_215, %swap3A_216] {strides = array<i32>} : memref<16x8x128xf32, #tpu.memory_space<vmem>>, vector<1x1x16xf32>,
        %swap3A_218 = vector.shape_cast %swap3A_217 : vector<1x1x16xf32> to vector<16xf32>
        %swap3A_219 = vector.shape_cast %add3A_212 : vector<16xf32> to vector<1x1x16xf32>
        tpu.vector_store %arg7[%swap3A_214, %swap3A_215, %swap3A_216], %swap3A_219 {strides = array<i32>} : memref<16x8x128xf32, #tpu.memory_space<vmem>>, vector<1x1x16xf32>,
        %mul3A_220 = arith.constant -0.900968849 : f32
        %mul3A_221 = vector.broadcast %mul3A_220 : f32 to vector<16xf32>
        %mul3A_222 = arith.mulf %sub3A_177, %mul3A_221 : vector<16xf32>
        %mul3A_223 = arith.constant 0.433883727 : f32
        %mul3A_224 = vector.broadcast %mul3A_223 : f32 to vector<16xf32>
        %mul3A_225 = arith.mulf %add3A_170, %mul3A_224 : vector<16xf32>
        %add3A_226 = arith.addf %mul3A_222, %mul3A_225 : vector<16xf32>
        %swap3A_227 = arith.constant 3 : i32
        %swap3A_228 = arith.index_cast %add3A_40 : i32 to index
        %swap3A_229 = arith.index_cast %swap3A_227 : i32 to index
        %swap3A_230 = arith.index_cast %add3A_50 : i32 to index
        %swap3A_231 = tpu.vector_load %arg7[%swap3A_228, %swap3A_229, %swap3A_230] {strides = array<i32>} : memref<16x8x128xf32, #tpu.memory_space<vmem>>, vector<1x1x16xf32>,
        %swap3A_232 = vector.shape_cast %swap3A_231 : vector<1x1x16xf32> to vector<16xf32>
        %swap3A_233 = vector.shape_cast %add3A_226 : vector<16xf32> to vector<1x1x16xf32>
        tpu.vector_store %arg7[%swap3A_228, %swap3A_229, %swap3A_230], %swap3A_233 {strides = array<i32>} : memref<16x8x128xf32, #tpu.memory_space<vmem>>, vector<1x1x16xf32>,
        %mul3A_234 = arith.constant -0.900968849 : f32
        %mul3A_235 = vector.broadcast %mul3A_234 : f32 to vector<16xf32>
        %mul3A_236 = arith.mulf %sub3A_177, %mul3A_235 : vector<16xf32>
        %mul3A_237 = arith.constant -0.433883727 : f32
        %mul3A_238 = vector.broadcast %mul3A_237 : f32 to vector<16xf32>
        %mul3A_239 = arith.mulf %add3A_170, %mul3A_238 : vector<16xf32>
        %add3A_240 = arith.addf %mul3A_236, %mul3A_239 : vector<16xf32>
        %swap3A_241 = arith.constant 4 : i32
        %swap3A_242 = arith.index_cast %add3A_40 : i32 to index
        %swap3A_243 = arith.index_cast %swap3A_241 : i32 to index
        %swap3A_244 = arith.index_cast %add3A_50 : i32 to index
        %swap3A_245 = tpu.vector_load %arg7[%swap3A_242, %swap3A_243, %swap3A_244] {strides = array<i32>} : memref<16x8x128xf32, #tpu.memory_space<vmem>>, vector<1x1x16xf32>,
        %swap3A_246 = vector.shape_cast %swap3A_245 : vector<1x1x16xf32> to vector<16xf32>
        %swap3A_247 = vector.shape_cast %add3A_240 : vector<16xf32> to vector<1x1x16xf32>
        tpu.vector_store %arg7[%swap3A_242, %swap3A_243, %swap3A_244], %swap3A_247 {strides = array<i32>} : memref<16x8x128xf32, #tpu.memory_space<vmem>>, vector<1x1x16xf32>,
        %mul3A_248 = arith.constant -0.222520933 : f32
        %mul3A_249 = vector.broadcast %mul3A_248 : f32 to vector<16xf32>
        %mul3A_250 = arith.mulf %sub3A_177, %mul3A_249 : vector<16xf32>
        %mul3A_251 = arith.constant -0.974927902 : f32
        %mul3A_252 = vector.broadcast %mul3A_251 : f32 to vector<16xf32>
        %mul3A_253 = arith.mulf %add3A_170, %mul3A_252 : vector<16xf32>
        %add3A_254 = arith.addf %mul3A_250, %mul3A_253 : vector<16xf32>
        %swap3A_255 = arith.constant 5 : i32
        %swap3A_256 = arith.index_cast %add3A_40 : i32 to index
        %swap3A_257 = arith.index_cast %swap3A_255 : i32 to index
        %swap3A_258 = arith.index_cast %add3A_50 : i32 to index
        %swap3A_259 = tpu.vector_load %arg7[%swap3A_256, %swap3A_257, %swap3A_258] {strides = array<i32>} : memref<16x8x128xf32, #tpu.memory_space<vmem>>, vector<1x1x16xf32>,
        %swap3A_260 = vector.shape_cast %swap3A_259 : vector<1x1x16xf32> to vector<16xf32>
        %swap3A_261 = vector.shape_cast %add3A_254 : vector<16xf32> to vector<1x1x16xf32>
        tpu.vector_store %arg7[%swap3A_256, %swap3A_257, %swap3A_258], %swap3A_261 {strides = array<i32>} : memref<16x8x128xf32, #tpu.memory_space<vmem>>, vector<1x1x16xf32>,
        %mul3A_262 = arith.constant 0.623489797 : f32
        %mul3A_263 = vector.broadcast %mul3A_262 : f32 to vector<16xf32>
        %mul3A_264 = arith.mulf %sub3A_177, %mul3A_263 : vector<16xf32>
        %mul3A_265 = arith.constant -0.781831503 : f32
        %mul3A_266 = vector.broadcast %mul3A_265 : f32 to vector<16xf32>
        %mul3A_267 = arith.mulf %add3A_170, %mul3A_266 : vector<16xf32>
        %add3A_268 = arith.addf %mul3A_264, %mul3A_267 : vector<16xf32>
        %swap3A_269 = arith.constant 6 : i32
        %swap3A_270 = arith.index_cast %add3A_40 : i32 to index
        %swap3A_271 = arith.index_cast %swap3A_269 : i32 to index
        %swap3A_272 = arith.index_cast %add3A_50 : i32 to index
        %swap3A_273 = tpu.vector_load %arg7[%swap3A_270, %swap3A_271, %swap3A_272] {strides = array<i32>} : memref<16x8x128xf32, #tpu.memory_space<vmem>>, vector<1x1x16xf32>,
        %swap3A_274 = vector.shape_cast %swap3A_273 : vector<1x1x16xf32> to vector<16xf32>
        %swap3A_275 = vector.shape_cast %add3A_268 : vector<16xf32> to vector<1x1x16xf32>
        tpu.vector_store %arg7[%swap3A_270, %swap3A_271, %swap3A_272], %swap3A_275 {strides = array<i32>} : memref<16x8x128xf32, #tpu.memory_space<vmem>>, vector<1x1x16xf32>,
        %mul3A_276 = arith.constant 1.000000e+00 : f32
        %mul3A_277 = vector.broadcast %mul3A_276 : f32 to vector<16xf32>
        %mul3A_278 = arith.mulf %sub3A_177, %mul3A_277 : vector<16xf32>
        %mul3A_279 = arith.constant -2.44929371E-16 : f32
        %mul3A_280 = vector.broadcast %mul3A_279 : f32 to vector<16xf32>
        %mul3A_281 = arith.mulf %add3A_170, %mul3A_280 : vector<16xf32>
        %add3A_282 = arith.addf %mul3A_278, %mul3A_281 : vector<16xf32>
        %swap3A_283 = arith.constant 7 : i32
        %swap3A_284 = arith.index_cast %add3A_40 : i32 to index
        %swap3A_285 = arith.index_cast %swap3A_283 : i32 to index
        %swap3A_286 = arith.index_cast %add3A_50 : i32 to index
        %swap3A_287 = tpu.vector_load %arg7[%swap3A_284, %swap3A_285, %swap3A_286] {strides = array<i32>} : memref<16x8x128xf32, #tpu.memory_space<vmem>>, vector<1x1x16xf32>,
        %swap3A_288 = vector.shape_cast %swap3A_287 : vector<1x1x16xf32> to vector<16xf32>
        %swap3A_289 = vector.shape_cast %add3A_282 : vector<16xf32> to vector<1x1x16xf32>
        tpu.vector_store %arg7[%swap3A_284, %swap3A_285, %swap3A_286], %swap3A_289 {strides = array<i32>} : memref<16x8x128xf32, #tpu.memory_space<vmem>>, vector<1x1x16xf32>,
      }
      %scan3A_45 = arith.constant 8 : i32
    }
    %scan3A_11 = arith.constant 16 : i32
    %dma_start3A_12 = arith.constant 0 : i32
    %dma_start3A_13 = arith.constant 0 : i32
    %dma_start3A_14 = tpu.memref_slice %arg3[%mul3A_4, %dma_start3A_12, %dma_start3A_13] : memref<512x8x128xf32, #tpu.memory_space<hbm>> -> memref<16x8x128xf32, #tpu.memory_space<hbm>>
    %dma_start3A_15 = arith.constant 0 : i32
    %dma_start3A_16 = arith.constant 0 : i32
    %dma_start3A_17 = tpu.memref_slice %arg3[%mul3A_4, %dma_start3A_15, %dma_start3A_16] : memref<512x8x128xf32, #tpu.memory_space<hbm>> -> memref<16x8x128xf32, #tpu.memory_space<hbm>>
    tpu.enqueue_dma source(%arg6 : memref<16x8x128xf32, #tpu.memory_space<vmem>>) target(%dma_start3A_17 : memref<16x8x128xf32, #tpu.memory_space<hbm>>) target_semaphore(%arg8 : memref<!tpu.dma_semaphore, #tpu.memory_space<semaphore_mem>>)
    %dma_wait3A_18 = arith.constant 0 : i32
    %dma_wait3A_19 = arith.constant 0 : i32
    %dma_wait3A_20 = tpu.memref_slice %arg3[%mul3A_4, %dma_wait3A_18, %dma_wait3A_19] : memref<512x8x128xf32, #tpu.memory_space<hbm>> -> memref<16x8x128xf32, #tpu.memory_space<hbm>>
    %dma_wait3A_21 = arith.constant 0 : i32
    %dma_wait3A_22 = arith.constant 0 : i32
    %dma_wait3A_23 = tpu.memref_slice %arg3[%mul3A_4, %dma_wait3A_21, %dma_wait3A_22] : memref<512x8x128xf32, #tpu.memory_space<hbm>> -> memref<16x8x128xf32, #tpu.memory_space<hbm>>
    tpu.wait_dma2 semaphore(%arg8 : memref<!tpu.dma_semaphore, #tpu.memory_space<semaphore_mem>>) src(%arg6 : memref<16x8x128xf32, #tpu.memory_space<vmem>>) dst(%dma_wait3A_23 : memref<16x8x128xf32, #tpu.memory_space<hbm>>)
    %dma_start3A_24 = arith.constant 0 : i32
    %dma_start3A_25 = arith.constant 0 : i32
    %dma_start3A_26 = tpu.memref_slice %arg4[%mul3A_4, %dma_start3A_24, %dma_start3A_25] : memref<512x8x128xf32, #tpu.memory_space<hbm>> -> memref<16x8x128xf32, #tpu.memory_space<hbm>>
    %dma_start3A_27 = arith.constant 0 : i32
    %dma_start3A_28 = arith.constant 0 : i32
    %dma_start3A_29 = tpu.memref_slice %arg4[%mul3A_4, %dma_start3A_27, %dma_start3A_28] : memref<512x8x128xf32, #tpu.memory_space<hbm>> -> memref<16x8x128xf32, #tpu.memory_space<hbm>>
    tpu.enqueue_dma source(%arg7 : memref<16x8x128xf32, #tpu.memory_space<vmem>>) target(%dma_start3A_29 : memref<16x8x128xf32, #tpu.memory_space<hbm>>) target_semaphore(%arg8 : memref<!tpu.dma_semaphore, #tpu.memory_space<semaphore_mem>>)
    %dma_wait3A_30 = arith.constant 0 : i32
    %dma_wait3A_31 = arith.constant 0 : i32
    %dma_wait3A_32 = tpu.memref_slice %arg4[%mul3A_4, %dma_wait3A_30, %dma_wait3A_31] : memref<512x8x128xf32, #tpu.memory_space<hbm>> -> memref<16x8x128xf32, #tpu.memory_space<hbm>>
    %dma_wait3A_33 = arith.constant 0 : i32
    %dma_wait3A_34 = arith.constant 0 : i32
    %dma_wait3A_35 = tpu.memref_slice %arg4[%mul3A_4, %dma_wait3A_33, %dma_wait3A_34] : memref<512x8x128xf32, #tpu.memory_space<hbm>> -> memref<16x8x128xf32, #tpu.memory_space<hbm>>
    tpu.wait_dma2 semaphore(%arg8 : memref<!tpu.dma_semaphore, #tpu.memory_space<semaphore_mem>>) src(%arg7 : memref<16x8x128xf32, #tpu.memory_space<vmem>>) dst(%dma_wait3A_35 : memref<16x8x128xf32, #tpu.memory_space<hbm>>)
    return
  }
}

module attributes {stable_mosaic.version = 14 : i64} {
  func.func @_tc_body(%arg0: i32, %arg1: memref<1024x16xf32, #tpu.memory_space<vmem>>, %arg2: memref<128x128xf32, #tpu.memory_space<vmem>>, %arg3: memref<16x128xf32, #tpu.memory_space<vmem>>, %arg4: memref<2x1024x8x128xf32, #tpu.memory_space<vmem>>, %arg5: memref<128x128xf32, #tpu.memory_space<vmem>>, %arg6: memref<128x128xf32, #tpu.memory_space<vmem>>) attributes {dimension_semantics = [#tpu.dimension_semantics<parallel>], iteration_bounds = array<i64: 4>, scalar_prefetch = 0 : i64, scratch_operands = 0 : i64, tpu.core_type = #tpu.core_type<tc>, window_params = [{transform_indices = @transform_0, window_bounds = array<i64: 1024, 16>}, {transform_indices = @transform_1, window_bounds = array<i64: 128, 128>}, {pipeline_mode = #tpu.pipeline_mode<synchronous>, transform_indices = @transform_2, window_bounds = array<i64: 16, 128>}, {transform_indices = @transform_3, window_bounds = array<i64: 2, 1024, 8, 128>}, {transform_indices = @transform_4, window_bounds = array<i64: 128, 128>}, {transform_indices = @transform_5, window_bounds = array<i64: 128, 128>}]} {
    %iota3A = tpu.iota {dimensions = array<i32: 0>} : vector<128x128xi32>
    %iota3A_0 = tpu.iota {dimensions = array<i32: 1>} : vector<128x128xi32>
    %mul3A = arith.constant 128 : i32
    %mul3A_1 = arith.muli %arg0, %mul3A : i32
    %add3A = vector.broadcast %mul3A_1 : i32 to vector<128x128xi32>
    %add3A_2 = arith.addi %add3A, %iota3A : vector<128x128xi32>
    %mul3A_3 = arith.constant 128 : i32
    %mul3A_4 = vector.broadcast %mul3A_3 : i32 to vector<128x128xi32>
    %mul3A_5 = arith.muli %add3A_2, %mul3A_4 : vector<128x128xi32>
    %add3A_6 = arith.addi %mul3A_5, %iota3A_0 : vector<128x128xi32>
    %convert_element_type3A = arith.sitofp %add3A_6 : vector<128x128xi32> to vector<128x128xf32>
    %mul3A_7 = arith.constant 1.1984408E-5 : f32
    %mul3A_8 = vector.broadcast %mul3A_7 : f32 to vector<128x128xf32>
    %mul3A_9 = arith.mulf %convert_element_type3A, %mul3A_8 : vector<128x128xf32>
    %add3A_10 = arith.constant 0.251327425 : f32
    %add3A_11 = vector.broadcast %add3A_10 : f32 to vector<128x128xf32>
    %add3A_12 = arith.addf %add3A_11, %mul3A_9 : vector<128x128xf32>
    %swap3A = arith.constant 0 : index
    %swap3A_13 = arith.constant 0 : index
    %swap3A_14 = vector.load %arg5[%swap3A, %swap3A_13] : memref<128x128xf32, #tpu.memory_space<vmem>>, vector<128x128xf32>
    tpu.vector_store %arg5[%swap3A, %swap3A_13], %add3A_12 {strides = array<i32>} : memref<128x128xf32, #tpu.memory_space<vmem>>, vector<128x128xf32>,
    %get3A = arith.constant 0 : index
    %get3A_15 = arith.constant 0 : index
    %get3A_16 = vector.load %arg2[%get3A, %get3A_15] : memref<128x128xf32, #tpu.memory_space<vmem>>, vector<128x128xf32>
    %gt3A = arith.constant 0.000000e+00 : f32
    %gt3A_17 = vector.broadcast %gt3A : f32 to vector<128x128xf32>
    %gt3A_18 = arith.cmpf ogt, %get3A_16, %gt3A_17 : vector<128x128xf32>
    %jit3A = arith.constant 0xFF800000 : f32
    %broadcast_in_dim3A = vector.broadcast %jit3A : f32 to vector<128x128xf32>
    %select_n3A = arith.select %gt3A_18, %add3A_12, %broadcast_in_dim3A : vector<128x128xi1>, vector<128x128xf32>
    %swap3A_19 = arith.constant 0 : index
    %swap3A_20 = arith.constant 0 : index
    %swap3A_21 = vector.load %arg6[%swap3A_19, %swap3A_20] : memref<128x128xf32, #tpu.memory_space<vmem>>, vector<128x128xf32>
    tpu.vector_store %arg6[%swap3A_19, %swap3A_20], %select_n3A {strides = array<i32>} : memref<128x128xf32, #tpu.memory_space<vmem>>, vector<128x128xf32>,
    %iota3A_22 = tpu.iota {dimensions = array<i32: 0>} : vector<1024x128xi32>
    %iota3A_23 = tpu.iota {dimensions = array<i32: 1>} : vector<1024x128xi32>
    %mul3A_24 = arith.constant 1024 : i32
    %mul3A_25 = arith.muli %arg0, %mul3A_24 : i32
    %add3A_26 = vector.broadcast %mul3A_25 : i32 to vector<1024x128xi32>
    %add3A_27 = arith.addi %add3A_26, %iota3A_22 : vector<1024x128xi32>
    %mul3A_28 = arith.constant 16 : i32
    %mul3A_29 = vector.broadcast %mul3A_28 : i32 to vector<1024x128xi32>
    %mul3A_30 = arith.muli %add3A_27, %mul3A_29 : vector<1024x128xi32>
    %shift_right_arithmetic3A = arith.constant 3 : i32
    %shift_right_arithmetic3A_31 = vector.broadcast %shift_right_arithmetic3A : i32 to vector<1024x128xi32>
    %shift_right_arithmetic3A_32 = arith.shrsi %iota3A_23, %shift_right_arithmetic3A_31 : vector<1024x128xi32>
    %add3A_33 = arith.addi %mul3A_30, %shift_right_arithmetic3A_32 : vector<1024x128xi32>
    %convert_element_type3A_34 = arith.sitofp %add3A_33 : vector<1024x128xi32> to vector<1024x128xf32>
    %and3A = arith.constant 7 : i32
    %and3A_35 = vector.broadcast %and3A : i32 to vector<1024x128xi32>
    %and3A_36 = arith.andi %iota3A_23, %and3A_35 : vector<1024x128xi32>
    %convert_element_type3A_37 = arith.sitofp %and3A_36 : vector<1024x128xi32> to vector<1024x128xf32>
    %mul3A_38 = arith.constant 1.1984408E-5 : f32
    %mul3A_39 = vector.broadcast %mul3A_38 : f32 to vector<1024x128xf32>
    %mul3A_40 = arith.mulf %convert_element_type3A_34, %mul3A_39 : vector<1024x128xf32>
    %add3A_41 = arith.constant 0.251327425 : f32
    %add3A_42 = vector.broadcast %add3A_41 : f32 to vector<1024x128xf32>
    %add3A_43 = arith.addf %add3A_42, %mul3A_40 : vector<1024x128xf32>
    %div3A = arith.constant 6.28318548 : f32
    %div3A_44 = vector.broadcast %div3A : f32 to vector<1024x128xf32>
    %div3A_45 = arith.divf %add3A_43, %div3A_44 : vector<1024x128xf32>
    %mul3A_46 = arith.constant 8.000000e+00 : f32
    %mul3A_47 = vector.broadcast %mul3A_46 : f32 to vector<1024x128xf32>
    %mul3A_48 = arith.mulf %div3A_45, %mul3A_47 : vector<1024x128xf32>
    %floor3A = math.floor %mul3A_48 : vector<1024x128xf32>
    %get3A_49 = arith.constant 0 : index
    %get3A_50 = arith.constant 0 : index
    %get3A_51 = vector.load %arg1[%get3A_49, %get3A_50] : memref<1024x16xf32, #tpu.memory_space<vmem>>, vector<1024x16xf32>
    %gt3A_52 = arith.constant 0.000000e+00 : f32
    %gt3A_53 = vector.broadcast %gt3A_52 : f32 to vector<1024x16xf32>
    %gt3A_54 = arith.cmpf ogt, %get3A_51, %gt3A_53 : vector<1024x16xf32>
    %convert_element_type3A_55 = arith.extui %gt3A_54 : vector<1024x16xi1> to vector<1024x16xi32>
    %convert_element_type3A_56 = arith.sitofp %convert_element_type3A_55 : vector<1024x16xi32> to vector<1024x16xf32>
    %get3A_57 = arith.constant 0 : index
    %get3A_58 = arith.constant 0 : index
    %get3A_59 = vector.load %arg3[%get3A_57, %get3A_58] : memref<16x128xf32, #tpu.memory_space<vmem>>, vector<16x128xf32>
    %dot_general3A = arith.constant dense<0.000000e+00> : vector<1024x128xf32>
    %dot_general3A_60 = tpu.matmul %convert_element_type3A_56, %get3A_59, %dot_general3A {dimension_numbers = #tpu.dot_dimension_numbers<[1], [0], [0], [1], [0, 0, 1, 1], [], []>, transpose_lhs_hint = false} : vector<1024x16xf32>, vector<16x128xf32>, vector<1024x128xf32> -> vector<1024x128xf32>
    %mul3A_61 = arith.constant 0.949999988 : f32
    %mul3A_62 = vector.broadcast %mul3A_61 : f32 to vector<1024x128xf32>
    %mul3A_63 = arith.mulf %mul3A_62, %dot_general3A_60 : vector<1024x128xf32>
    %eq3A = arith.cmpf oeq, %floor3A, %convert_element_type3A_37 : vector<1024x128xf32>
    %convert_element_type3A_64 = arith.extui %eq3A : vector<1024x128xi1> to vector<1024x128xi32>
    %convert_element_type3A_65 = arith.sitofp %convert_element_type3A_64 : vector<1024x128xi32> to vector<1024x128xf32>
    %mul3A_66 = arith.mulf %mul3A_63, %convert_element_type3A_65 : vector<1024x128xf32>
    %broadcast_in_dim3A_67 = vector.shape_cast %mul3A_66 : vector<1024x128xf32> to vector<1x1024x1x128xf32>
    %broadcast_in_dim3A_68 = vector.shape_cast %broadcast_in_dim3A_67 : vector<1x1024x1x128xf32> to vector<1x1024x1x128xf32>
    %broadcast_in_dim3A_69 = vector.broadcast %broadcast_in_dim3A_68 : vector<1x1024x1x128xf32> to vector<2x1024x8x128xf32>
    %swap3A_70 = arith.constant 0 : index
    %swap3A_71 = arith.constant 0 : index
    %swap3A_72 = arith.constant 0 : index
    %swap3A_73 = arith.constant 0 : index
    %swap3A_74 = vector.load %arg4[%swap3A_70, %swap3A_71, %swap3A_72, %swap3A_73] : memref<2x1024x8x128xf32, #tpu.memory_space<vmem>>, vector<2x1024x8x128xf32>
    tpu.vector_store %arg4[%swap3A_70, %swap3A_71, %swap3A_72, %swap3A_73], %broadcast_in_dim3A_69 {strides = array<i32>} : memref<2x1024x8x128xf32, #tpu.memory_space<vmem>>, vector<2x1024x8x128xf32>,
    return
  }
  func.func @transform_0(%arg0: i32) -> (i32, i32) {
    %c0_i32 = arith.constant 0 : i32
    %c0_i32_0 = arith.constant 0 : i32
    return %arg0, %c0_i32 : i32, i32
  }
  func.func @transform_1(%arg0: i32) -> (i32, i32) {
    %c0_i32 = arith.constant 0 : i32
    %c0_i32_0 = arith.constant 0 : i32
    return %arg0, %c0_i32 : i32, i32
  }
  func.func @transform_2(%arg0: i32) -> (i32, i32) {
    %c0_i32 = arith.constant 0 : i32
    %c0_i32_0 = arith.constant 0 : i32
    %c0_i32_1 = arith.constant 0 : i32
    return %c0_i32, %c0_i32_0 : i32, i32
  }
  func.func @transform_3(%arg0: i32) -> (i32, i32, i32, i32) {
    %c0_i32 = arith.constant 0 : i32
    %c0_i32_0 = arith.constant 0 : i32
    %c0_i32_1 = arith.constant 0 : i32
    %c0_i32_2 = arith.constant 0 : i32
    return %c0_i32, %arg0, %c0_i32_0, %c0_i32_1 : i32, i32, i32, i32
  }
  func.func @transform_4(%arg0: i32) -> (i32, i32) {
    %c0_i32 = arith.constant 0 : i32
    %c0_i32_0 = arith.constant 0 : i32
    return %arg0, %c0_i32 : i32, i32
  }
  func.func @transform_5(%arg0: i32) -> (i32, i32) {
    %c0_i32 = arith.constant 0 : i32
    %c0_i32_0 = arith.constant 0 : i32
    return %arg0, %c0_i32 : i32, i32
  }
}

</mosaic_0001>

<sc_bundles>
// kernel: kernel.4.cloned.1.call-start
scs
__scs_entry_jumppad:
0x0: {  	(pc) =	sbr.rel $0x88, $3  }
0x1: {  	(tag) =	ssettag $0x0;
	lr =	simm.s32 $0x1  }
0x2: {  	[smem:$0x3FA0] =	sst lr;
	_ =	strace $0xD0000000  }
0x3: {  	_ = 	snop  }
0x4: {  	_ = 	snop  }
0x5: {  	_ = 	snop  }
0x6: {  	_ = 	snop  }
0x7: {  	_ = 	snop  }
__scs_overlays_trampoline_lowered:
0x8: {  	[smem:$0x3FAF] =	sst s0  }
0x9: {  	[smem:$0x3FB0] =	sst s1  }
0xa: {  	[smem:$0x3FB1] =	sst s2  }
0xb: {  	[smem:$0x3FB2] =	sst s3  }
0xc: {  	[smem:$0x3FB3] =	sst s4  }
0xd: {  	[smem:$0x3FB4] =	sst s5  }
0xe: {  	[smem:$0x3FB5] =	sst s6  }
0xf: {  	[smem:$0x3FB6] =	sst s7  }
0x10: {  	[smem:$0x3FB7] =	sst s8  }
0x11: {  	[smem:$0x3FB8] =	sst s9;
	s0 =	simm.s32 @!p0 $0x0  }
0x12: {  	s1 =	sld [smem:$0x3F9E];
	s0 =	simm.s32 @p0 $0x1  }
0x13: {  	[smem:$0x3FB9] =	sst s0;
	s0 =	simm.s32 @!p1 $0x0  }
0x14: {  	s2 =	sld [smem:$0x3F9D];
	s0 =	simm.s32 @p1 $0x1  }
0x15: {  	[smem:$0x3FBA] =	sst s0;
	s0 =	simm.s32 @!p2 $0x0  }
0x16: {  	s3 =	sld [smem:$0x3FDB];
	s0 =	simm.s32 @p2 $0x1  }
0x17: {  	s4 =	simm.s32 $0x1BF5;
	[smem:$0x3FBC] =	sst s0  }
0x18: {  	s0 =	sld [smem:$0x3F9F];
	_ =	swait.ge [sflag:s4], $0x0  }
0x19: {  	s7 =	sld [smem:$0x3FA0]  }
0x1a: {  	s8 =	sadd.s32 $0xFFFFE003, lr  }
0x1b: {  	s9 =	sadd.s32 $0xFFFFFEF7, lr;
	s5 =	simm.s32 $0xFFFFFFFF;
	p2 =	slt.u32 s8, $0xFFFFF086  }
0x1c: {  	p1 =	slt.u32 s9, $0xF7A;
	s5 =	simm.s32 @!p2 $0x0  }
0x1d: {  	s5 =	simm.s32 @p1 $0x1;
	p0 =	seq.s32 s7, s2  }
0x1e: {  	s7 =	smul.u32 @!p0 $0xF7A, s2;
	p2 =	seq.s32 @!p0 s5, $0x0  }
0x1f: {  	s9 =	smul.u32 $0xF7A, s1;
	s8 =	simm.s32 @!p0 $0x1BF5;
	p2 =	por !p2, p0  }
0x20: {  	[sflag:s8] =	ssyncset.s32 @!p0 $0xFFFFF086;
	s6 =	sadd.s32 @!p0 s3, s7;
	s7 =	simm.s32 @!p0 $0x108  }
0x21: {  	s3 =	sadd.s32 s3, s9;
	s6 =	sadd.s32 @!p0 $0x88, s6;
	s7 =	simm.s32 @p2 $0x1082  }
0x22: {  	[simem:s7], [sflag:s8] =	dma.local @!p0 [hbm:s6], $0xF7A  }
0x23: {  	s9 =	sor.u32 $0xD0000000, s2;
	s6 =	simm.s32 $0x108;
	_ =	swait.ge @!p0 [sflag:s8], $0x0  }
0x24: {  	s3 =	sadd.s32 $0x88, s3;
	s6 =	simm.s32 @!p1 $0x1082;
	[sflag:s4] =	ssyncset.s32 $0xFFFFF086  }
0x25: {  	[simem:s6], [sflag:s4] =	dma.local [hbm:s3], $0xF7A  }
0x26: {  	[smem:$0x3FA0] =	sst s1;
	(tag) =	ssettag s2;
	_ =	strace s9  }
0x27: {  	s1 =	sld [smem:$0x3FB0]  }
0x28: {  	s2 =	sld [smem:$0x3FB1]  }
0x29: {  	s4 =	sld [smem:$0x3FB3]  }
0x2a: {  	p0 =	seq.s32 s5, $0x0;
	s5 =	sld [smem:$0x3FB4]  }
0x2b: {  	s6 =	sld [smem:$0x3FB5]  }
0x2c: {  	s7 =	sld [smem:$0x3FB6]  }
0x2d: {  	s3 =	simm.s32 $0x108;
	s8 =	sld [smem:$0x3FB7]  }
0x2e: {  	s3 =	simm.s32 @!p0 $0x1082;
	s9 =	sld [smem:$0x3FB8]  }
0x2f: {  	lr =	sadd.s32 s0, s3;
	s0 =	sld [smem:$0x3FAF]  }
0x30: {  	s3 =	sld [smem:$0x3FB2]  }
0x31: {  	[smem:$0x3FBB] =	sst s10  }
0x32: {  	s10 =	sld [smem:$0x3FB9];
	_ =	sdelay $0x3  }
0x33: {  	p0 =	seq.s32 s10, $0x1;
	s10 =	sld [smem:$0x3FBB];
	_ =	sdelay $0x3  }
0x34: {  	[smem:$0x3FBB] =	sst s10  }
0x35: {  	s10 =	sld [smem:$0x3FBA];
	_ =	sdelay $0x3  }
0x36: {  	p1 =	seq.s32 s10, $0x1;
	s10 =	sld [smem:$0x3FBB];
	_ =	sdelay $0x3  }
0x37: {  	[smem:$0x3FBB] =	sst s10  }
0x38: {  	s10 =	sld [smem:$0x3FBC]  }
0x39: {  	_ = 	snop;
	(pc) =	sbr.ind lr, $3  }
0x3a: {  	_ = 	snop  }
0x3b: {  	_ = 	snop  }
0x3c: {  	p2 =	seq.s32 s10, $0x1;
	s10 =	sld [smem:$0x3FBB]  }
0x3d: {  	_ =	shalt  }
0x3e: {  	_ =	shalt  }
0x3f: {  	_ =	shalt  }
0x40: {  	_ =	shalt  }
0x41: {  	_ =	shalt  }
0x42: {  	_ =	shalt  }
0x43: {  	_ =	shalt  }
0x44: {  	_ =	shalt  }
0x45: {  	_ =	shalt  }
0x46: {  	_ =	shalt  }
0x47: {  	_ =	shalt  }
0x48: {  	_ =	shalt  }
0x49: {  	_ =	shalt  }
0x4a: {  	_ =	shalt  }
0x4b: {  	_ =	shalt  }
0x4c: {  	_ =	shalt  }
0x4d: {  	_ =	shalt  }
0x4e: {  	_ =	shalt  }
0x4f: {  	_ =	shalt  }
0x50: {  	_ =	shalt  }
0x51: {  	_ =	shalt  }
0x52: {  	_ =	shalt  }
0x53: {  	_ =	shalt  }
0x54: {  	_ =	shalt  }
0x55: {  	_ =	shalt  }
0x56: {  	_ =	shalt  }
0x57: {  	_ =	shalt  }
0x58: {  	_ =	shalt  }
0x59: {  	_ =	shalt  }
0x5a: {  	_ =	shalt  }
0x5b: {  	_ =	shalt  }
0x5c: {  	_ =	shalt  }
0x5d: {  	_ =	shalt  }
0x5e: {  	_ =	shalt  }
0x5f: {  	_ =	shalt  }
0x60: {  	_ =	shalt  }
0x61: {  	_ =	shalt  }
0x62: {  	_ =	shalt  }
0x63: {  	_ =	shalt  }
0x64: {  	_ =	shalt  }
0x65: {  	_ =	shalt  }
0x66: {  	_ =	shalt  }
0x67: {  	_ =	shalt  }
0x68: {  	_ =	shalt  }
0x69: {  	_ =	shalt  }
0x6a: {  	_ =	shalt  }
0x6b: {  	_ =	shalt  }
0x6c: {  	_ =	shalt  }
0x6d: {  	_ =	shalt  }
0x6e: {  	_ =	shalt  }
0x6f: {  	_ =	shalt  }
0x70: {  	_ =	shalt  }
0x71: {  	_ =	shalt  }
0x72: {  	_ =	shalt  }
0x73: {  	_ =	shalt  }
0x74: {  	_ =	shalt  }
0x75: {  	_ =	shalt  }
0x76: {  	_ =	shalt  }
0x77: {  	_ =	shalt  }
0x78: {  	_ =	shalt  }
0x79: {  	_ =	shalt  }
0x7a: {  	_ =	shalt  }
0x7b: {  	_ =	shalt  }
0x7c: {  	_ =	shalt  }
0x7d: {  	_ =	shalt  }
0x7e: {  	_ =	shalt  }
0x7f: {  	_ =	shalt  }
0x80: {  	_ =	shalt  }
0x81: {  	_ =	shalt  }
0x82: {  	_ =	shalt  }
0x83: {  	_ =	shalt  }
0x84: {  	_ =	shalt  }
0x85: {  	_ =	shalt  }
0x86: {  	_ =	shalt  }
0x87: {  	_ =	shalt  }
.Lfunc_end0:
.L_simem_size_0:
called_computation_lowered:
.L_overlay_start_0:
0x88: {  	s2 =	sld [smem:$0x3FD9]  }
0x89: {  	s3 =	sld [smem:$0x3FFE];
	_ =	sdelay $0x1  }
0x8a: {  	s1 =	srdreg.scid  }
0x8b: {  	s0 =	sand.u32 $0x1, s1  }
0x8c: {  	s14 =	sshll.u32 s0, $0xA;
	s2 =	sadd.s32 s3, s2  }
0x8d: {  	s2 =	sadd.s32 s2, s14  }
0x8e: {  	[smem:$0x3FC7] =	sst s2  }
0x8f: {  	_ = 	snop  }
0x90: {  	s2 =	sld [smem:$0x3FD0];
	_ =	sdelay $0x2  }
0x91: {  	s15 =	simm.s32 $0xA;
	s4 =	simm.s32 $0x10  }
0x92: {  	[smem:s4], [sflag:s15] =	dma.local [hbm:s2], $0x1  }
0x93: {  	_ =	swait.eq [sflag:s15], $0x1  }
0x94: {  	[sflag:s15] =	ssyncset.done $0x0  }
0x95: {  	s16 =	sld [smem:$0x12];
	[sflag:s15] =	ssyncadd.s32 $0xFFFFFFFF  }
0x96: {  	s17 =	sld [smem:$0x15];
	(tm) =	ssettm $0x1  }
0x97: {  	s18 =	sld [smem:$0x3FFB];
	_ =	sdelay $0x3  }
0x98: {  	_ =	strace s18  }
0x99: {  	s4 =	sld [smem:$0x3FFC];
	_ =	sdelay $0x3  }
0x9a: {  	_ =	strace s4  }
0x9b: {  	s4 =	sld [smem:$0x3FFD];
	_ =	sdelay $0x3  }
0x9c: {  	_ =	strace s4  }
0x9d: {  	_ =	strace $0x8FFFFFFF  }
0x9e: {  	s19 =	sld [smem:$0x3FDB];
	_ =	sdelay $0x1  }
0x9f: {  	s5 =	simm.s32 $_scs_section_size  }
0xa0: {  	s6 =	simm.s32 $_size__tile_overlayer_lowered;
	s7 =	simm.s32 $_tile_overlayer_lowered  }
0xa1: {  	s22 =	simm.s32 $0x1BFF;
	s21 =	sshll.u32 s7, $0x1;
	s4 =	sadd.s32 s5, s19  }
0xa2: {  	s8 =	simm.s32 $0x0;
	s20 =	sshll.u32 s6, $0x1;
	s6 =	sadd.s32 s21, s4  }
0xa3: {  	[timem:s8], [sflag:s22] =	dma.local [hbm:s6], s20  }
0xa4: {  	_ =	swait.ge [sflag:s22], s20  }
0xa5: {  	s5 =	ssub.s32 $0x0, s20;
	[sflag:s22] =	ssyncset.done $0x0  }
0xa6: {  	[sflag:s22] =	ssyncadd.s32 s5;
	_ =	sdelay $0x1  }
0xa7: {  	s23 =	simm.s32 $0x1B8B  }
0xa8: {  	_ =	swait.ge [sflag:s23], $0x1  }
0xa9: {  	[sflag:s23] =	ssyncset.done $0x0  }
0xaa: {  	s25 =	simm.s32 $0x1B8E;
	s24 =	sld [smem:$0x3FFE];
	[sflag:s23] =	ssyncadd.s32 $0xFFFFFFFF  }
0xab: {  	s26 =	simm.s32 $execute0_lowered;
	[smem:$0x3FD2] =	sst s25  }
0xac: {  	s6 =	sshll.u32 s26, $0x1;
	_ =	strace $0x80000046;
	[dreg:$0x1] =	wrdreg $0xFFFFFFFF  }
0xad: {  	s28 =	simm.s32 $_size_execute0_lowered;
	s4 =	sadd.s32 s4, s6;
	[dreg:$0x0] =	wrdreg $0x0  }
0xae: {  	s6 =	sshll.u32 s28, $0x1;
	[dreg:$0x2] =	wrdreg s4  }
0xaf: {  	[dreg:$0x3] =	wrdreg s6  }
0xb0: {  	[dreg:$0x4] =	wrdreg $0xC0  }
0xb1: {  	_ =	task [dreg:s8], $0x5FFFF  }
0xb2: {  	[dreg:$0x1] =	wrdreg $0xFFFFFFFF  }
0xb3: {  	[dreg:$0x0] =	wrdreg $0x60  }
0xb4: {  	[dreg:$0x2] =	wrdreg s24  }
0xb5: {  	[dreg:$0x3] =	wrdreg s16  }
0xb6: {  	[dreg:$0x4] =	wrdreg s17  }
0xb7: {  	[dreg:$0x5] =	wrdreg $0x9  }
0xb8: {  	_ =	task.clear_ibuf [dreg:s8], $0x6FFFF;
	_ =	strace $0x90000046  }
0xb9: {  	s29 =	simm.s32 $0x9;
	_ =	strace $0x80000048  }
0xba: {  	_ =	swait.ge [sflag:s29], $0x1  }
0xbb: {  	[sflag:s29] =	ssyncadd.s32 $0xFFFFFFFF  }
0xbc: {  	_ =	strace $0x90000048  }
0xbd: {  	_ =	sfence  }
0xbe: {  	s30 =	sld [smem:$0x0];
	_ =	sdelay $0x2  }
0xbf: {  	s31 =	sshll.u32 s1, $0xD;
	s1 =	sshrl.u32 s1, $0x2  }
0xc0: {  	s3 =	sand.u32 $0x4000, s31;
	s1 =	sadd.s32 s1, s30  }
0xc1: {  	s0 =	sor.u32 s3, s0;
	s1 =	sshll.u32 s1, $0x11  }
0xc2: {  	s0 =	sor.u32 s1, s0  }
0xc3: {  	s0 =	sadd.s32 $0x8F2B, s0  }
0xc4: {  	[sflag:s0] =	ssyncadd.remote.s32 $0x1  }
0xc5: {  	_ =	sfence.sel $0xFFFF  }
0xc6: {  	[dreg:$0x0] =	wrdreg $0xFFFFFFFF;
	(pc) =	sbr.abs _section_cstart, $3  }
0xc7: {  	[dreg:$0x1] =	wrdreg $0xFFFFFFFF  }
0xc8: {  	_ =	task.clear_ibuf [dreg:s8], $0x2FFFF;
	_ =	strace $0x9FFFFFFF  }
0xc9: {  	(tm) =	ssettm $0x7FFFFFFF  }
tec
execute0_lowered:
.L_overlay_start_1:
0x0: {  	(tag) =	ssettag $0x1  }
0x1: {  	s3 =	rddreg [dreg:$0x0]  }
0x2: {  	s4 =	rddreg [dreg:$0x1]  }
0x3: {  	s5 =	rddreg [dreg:$0x2];
	s1 =	simm.s32 $0x0  }
0x4: {  	[smem:$0x7FF] =	sst s1  }
0x5: {  	s0 =	rddreg [dreg:$0x3];
	v0 =	vimm.f32 $6.283185480e+00;
	_ =	strace $0x80000047  }
0x6: {  	(erf) = vrcp.f32 v0;
	_ =	sdelay $0x1  }
0x7: {  	s6 =	srdreg.scid  }
0x8: {  	s2 =	stileid.u32;
	s10 =	simm.s32 $0x4800;
	s11 =	simm.s32 $0x0  }
0x9: {  	s6 =	sand.u32 $0x1, s6;
	s7 =	sshll.u32 s2, $0x1;
	s30 =	sshll.u32 s2, $0xC  }
0xa: {  	s7 =	sor.u32 s6, s7;
	s9 =	ssub.s32 $0x2, s6;
	s31 =	sshll.u32 s6, $0xB  }
0xb: {  	s8 =	sshll.u32 s7, $0x8;
	s29 =	sshrl.u32 s9, $0x1;
	s7 =	sshll.u32 s7, $0xB  }
0xc: {  	s3 =	sadd.s32 s8, s3;
	s8 =	ssub.s32 s9, s29;
	s4 =	sadd.s32 s4, s7  }
0xd: {  	s5 =	sadd.s32 s5, s7;
	s7 =	sor.u32 s31, s30;
	s9 =	simm.s32 $0x800  }
0xe: {  	v1 =	vlaneseq.u32;
	v2 =	vimm.f32 $0.0e+00;
	s3 =	sadd.s32 $0xC00, s3;
	s6 =	smax.u32 s8, $0x1;
	s8 =	simm.s32 $0x1;
	v0 =	vpop (erf)  }
.LBB2_1:
0xf: {  	[tilespmem:s1], [sflag:$0x1] =	stream.linear.gather [hbm4b:s3+s1], $0x800, $0x38;
	[tilespmem:$0x8800] =	vst v63  }
0x10: {  	s12 =	simm.s32 $0xA00;
	_ =	swait.ge [sflag:s8], $0x800  }
0x11: {  	s13 =	simm.s32 $0x4A00;
	s14 =	smov.u32 s7;
	[sflag:s8] =	ssyncset.done $0x0  }
0x12: {  	s15 =	simm.s32 $0x0;
	s16 =	simm.s32 $0x0;
	[sflag:s8] =	ssyncadd.s32 $0xFFFFF800  }
.LBB2_2:
0x13: {  	v3 =	vor.u32 s14, v1  }
0x14: {  	v3 =	vcvt.s32.f32 v3;
	_ =	sdelay $0x1  }
0x15: {  	v3 =	vmul.f32 $1.198440800e-05, v3;
	_ =	sdelay $0x1  }
0x16: {  	v3 =	vadd.f32 $2.513274250e-01, v3;
	_ =	sdelay $0x1  }
0x17: {  	v4 =	vadd.f32 $-6.440265180e-01, v3;
	_ =	sdelay $0x1  }
0x18: {  	v6 =	vmul.f32 v4, v4  }
0x19: {  	v5 =	vmov s15  }
0x1a: {  	v7 =	vmul.f32 $-1.388888920e-03, v6;
	_ =	sdelay $0x1  }
0x1b: {  	v8 =	vmul.f32 $8.333333770e-03, v6;
	v7 =	vadd.f32 $4.166666790e-02, v7  }
0x1c: {  	s17 =	simm.s32 $0x0  }
0x1d: {  	v9 =	vld.idx.msk [tilespmem:v5+s17+$0x0 ss:$0x1], $0xffff;
	v8 =	vadd.f32 $-1.666666720e-01, v8;
	v7 =	vmul.f32 v7, v6  }
0x1e: {  	v3 =	vmul.f32 v3, v0  }
0x1f: {  	v8 =	vmul.f32 v8, v6;
	v7 =	vadd.f32 $-5.000000000e-01, v7  }
0x20: {  	v10 =	vmul.f32 $8.000000000e+00, v3  }
0x21: {  	v3 =	vmov s12;
	v6 =	vmul.f32 v7, v6;
	v7 =	vadd.f32 $1.000000000e+00, v8  }
0x22: {  	vm1 =	vgt.f32 v9, $0.0e+00;
	vm0 =	vge.f32 v10, $1.000000000e+00  }
0x23: {  	v8 =	vsel vm1, $0x3F733333, v2;
	v6 =	vadd.f32 $1.000000000e+00, v6;
	v4 =	vmul.f32 v7, v4  }
0x24: {  	v7 =	vnsel vm0, $0x0, v8  }
0x25: {  	v8 =	vsub.f32 v8, v7;
	v9 =	vmul.f32 $6.004202370e-01, v6;
	v10 =	vmul.f32 $7.996846430e-01, v4  }
0x26: {  	[tilespmem:v3+s17+$0xFFFFFE80 ss:$0x1] =	vst.idx.msk $0xffff, v7;
	v6 =	vmul.f32 $7.996846430e-01, v6;
	v4 =	vmul.f32 $6.004202370e-01, v4  }
0x27: {  	s18 =	sadd.s32 $0x10, s14;
	[tilespmem:v3+s17+$0xFFFFFE00 ss:$0x1] =	vst.idx.msk $0xffff, v8  }
0x28: {  	v8 =	vor.u32 s18, v1;
	v7 =	vadd.f32 v9, v10;
	[tilespmem:v3+s17+$0xFFFFFF00 ss:$0x1] =	vst.idx.msk $0xffff, v2;
	v11 =	vsub.f32 v6, v4  }
0x29: {  	v4 =	vmov s13;
	v6 =	vcvt.s32.f32 v8;
	[tilespmem:v3+s17+$0xFFFFFF80 ss:$0x1] =	vst.idx.msk $0xffff, v2  }
0x2a: {  	v8 =	vmul.f32 $0.0e+00, v7;
	[tilespmem:v3+s17+$0x0 ss:$0x1] =	vst.idx.msk $0xffff, v2;
	v9 =	vmul.f32 $6.234897970e-01, v11  }
0x2b: {  	v10 =	vmul.f32 $7.818315030e-01, v7;
	v6 =	vmul.f32 $1.198440800e-05, v6;
	[tilespmem:v3+s17+$0x80 ss:$0x1] =	vst.idx.msk $0xffff, v2  }
0x2c: {  	v12 =	vmul.f32 $-2.225209330e-01, v11;
	v13 =	vmul.f32 $9.749279020e-01, v7;
	[tilespmem:v3+s17+$0x100 ss:$0x1] =	vst.idx.msk $0xffff, v2;
	v8 =	vadd.f32 v8, v11  }
0x2d: {  	v15 =	vmul.f32 $-9.009688490e-01, v11;
	v16 =	vmul.f32 $4.338837270e-01, v7;
	v14 =	vadd.f32 v10, v9;
	[tilespmem:v3+s17+$0x180 ss:$0x1] =	vst.idx.msk $0xffff, v2  }
0x2e: {  	v6 =	vadd.f32 $2.513274250e-01, v6;
	[tilespmem:v4+s17+$0xFFFFFE00 ss:$0x1] =	vst.idx.msk $0xffff, v8;
	v8 =	vadd.f32 v13, v12  }
0x2f: {  	v7 =	vmul.f32 $-2.449293710e-16, v7;
	v63 =	vadd.f32 v16, v15;
	[tilespmem:v4+s17+$0xFFFFFE80 ss:$0x1] =	vst.idx.msk $0xffff, v14  }
0x30: {  	v15 =	vsub.f32 v15, v16;
	[tilespmem:v4+s17+$0xFFFFFF00 ss:$0x1] =	vst.idx.msk $0xffff, v8;
	v8 =	vmul.f32 v6, v0;
	v6 =	vadd.f32 $-6.440265180e-01, v6  }
0x31: {  	v9 =	vsub.f32 v9, v10;
	v10 =	vsub.f32 v12, v13  }
0x32: {  	v11 =	vadd.f32 v7, v11;
	[tilespmem:v4+s17+$0xFFFFFF80 ss:$0x1] =	vst.idx.msk $0xffff, v63;
	v7 =	vmul.f32 $8.000000000e+00, v8;
	v8 =	vmul.f32 v6, v6  }
0x33: {  	s19 =	simm.s32 $0x40;
	s20 =	simm.s32 $0x80;
	[tilespmem:v4+s17+$0x0 ss:$0x1] =	vst.idx.msk $0xffff, v15  }
.LBB2_3:
0x34: {  	p0 =	sne.s32 s20, $0x1C0;
	v12 =	vmul.f32 $-1.388888920e-03, v8;
	[tilespmem:v4+s17+$0x80 ss:$0x1] =	vst.idx.msk $0xffff, v10;
	s21 =	smov.u32 s20;
	s20 =	sadd.s32 $0x40, s20  }
0x35: {  	[tilespmem:v4+s17+$0x100 ss:$0x1] =	vst.idx.msk $0xffff, v9  }
0x36: {  	v10 =	vmul.f32 $8.333333770e-03, v8;
	v9 =	vadd.f32 $4.166666790e-02, v12;
	[tilespmem:v4+s17+$0x180 ss:$0x1] =	vst.idx.msk $0xffff, v11;
	s17 =	sshra.s32 s19, $0x2;
	s19 =	smov.u32 s21  }
0x37: {  	v11 =	vld.idx.msk [tilespmem:v5+s17+$0x0 ss:$0x1], $0xffff  }
0x38: {  	v10 =	vadd.f32 $-1.666666720e-01, v10;
	v9 =	vmul.f32 v9, v8;
	_ =	sdelay $0x1  }
0x39: {  	v10 =	vmul.f32 v10, v8;
	v9 =	vadd.f32 $-5.000000000e-01, v9;
	_ =	sdelay $0x1  }
0x3a: {  	v8 =	vmul.f32 v9, v8;
	v9 =	vadd.f32 $1.000000000e+00, v10  }
0x3b: {  	vm0 =	vge.f32 v7, $1.000000000e+00;
	vm1 =	vgt.f32 v11, $0.0e+00  }
0x3c: {  	v7 =	vsel vm1, $0x3F733333, v2;
	v8 =	vadd.f32 $1.000000000e+00, v8;
	v6 =	vmul.f32 v9, v6  }
0x3d: {  	v9 =	vnsel vm0, $0x0, v7  }
0x3e: {  	v7 =	vsub.f32 v7, v9;
	v10 =	vmul.f32 $6.004202370e-01, v8;
	v11 =	vmul.f32 $7.996846430e-01, v6  }
0x3f: {  	v8 =	vmul.f32 $7.996846430e-01, v8;
	v6 =	vmul.f32 $6.004202370e-01, v6;
	[tilespmem:v3+s17+$0xFFFFFE80 ss:$0x1] =	vst.idx.msk $0xffff, v9  }
0x40: {  	s18 =	sadd.s32 $0x10, s18;
	[tilespmem:v3+s17+$0xFFFFFE00 ss:$0x1] =	vst.idx.msk $0xffff, v7;
	v7 =	vadd.f32 v10, v11  }
0x41: {  	v9 =	vor.u32 s18, v1;
	v8 =	vsub.f32 v8, v6;
	[tilespmem:v3+s17+$0xFFFFFF00 ss:$0x1] =	vst.idx.msk $0xffff, v2  }
0x42: {  	v6 =	vcvt.s32.f32 v9;
	[tilespmem:v3+s17+$0xFFFFFF80 ss:$0x1] =	vst.idx.msk $0xffff, v2;
	v9 =	vmul.f32 $0.0e+00, v7  }
0x43: {  	v10 =	vmul.f32 $6.234897970e-01, v8;
	v11 =	vmul.f32 $7.818315030e-01, v7;
	[tilespmem:v3+s17+$0x0 ss:$0x1] =	vst.idx.msk $0xffff, v2  }
0x44: {  	v6 =	vmul.f32 $1.198440800e-05, v6;
	v13 =	vmul.f32 $-2.225209330e-01, v8;
	[tilespmem:v3+s17+$0x80 ss:$0x1] =	vst.idx.msk $0xffff, v2;
	v12 =	vadd.f32 v9, v8  }
0x45: {  	v15 =	vmul.f32 $9.749279020e-01, v7;
	v16 =	vmul.f32 $-9.009688490e-01, v8;
	v14 =	vadd.f32 v11, v10;
	[tilespmem:v3+s17+$0x100 ss:$0x1] =	vst.idx.msk $0xffff, v2  }
0x46: {  	v17 =	vmul.f32 $4.338837270e-01, v7;
	v6 =	vadd.f32 $2.513274250e-01, v6;
	v9 =	vsub.f32 v10, v11;
	[tilespmem:v3+s17+$0x180 ss:$0x1] =	vst.idx.msk $0xffff, v2  }
.Ltmp0:
0x47: {  	v7 =	vmul.f32 $-2.449293710e-16, v7;
	v11 =	vadd.f32 v15, v13;
	v10 =	vsub.f32 v13, v15;
	[tilespmem:v4+s17+$0xFFFFFE00 ss:$0x1] =	vst.idx.msk $0xffff, v12;
	(pc) =	sbr.rel @p0 .LBB2_3-.Ltmp0, $4  }
0x48: {  	v13 =	vadd.f32 v17, v16;
	v12 =	vmul.f32 v6, v0;
	v6 =	vadd.f32 $-6.440265180e-01, v6;
	[tilespmem:v4+s17+$0xFFFFFE80 ss:$0x1] =	vst.idx.msk $0xffff, v14  }
0x49: {  	v14 =	vsub.f32 v16, v17;
	[tilespmem:v4+s17+$0xFFFFFF00 ss:$0x1] =	vst.idx.msk $0xffff, v11;
	v11 =	vadd.f32 v7, v8  }
0x4a: {  	v7 =	vmul.f32 $8.000000000e+00, v12;
	v8 =	vmul.f32 v6, v6;
	[tilespmem:v4+s17+$0xFFFFFF80 ss:$0x1] =	vst.idx.msk $0xffff, v13  }
0x4b: {  	[tilespmem:v4+s17+$0x0 ss:$0x1] =	vst.idx.msk $0xffff, v14  }
0x4c: {  	_ =	sdelay $0x3  }
0x4d: {  	v12 =	vmul.f32 $-1.388888920e-03, v8;
	[tilespmem:v4+s17+$0x80 ss:$0x1] =	vst.idx.msk $0xffff, v10  }
0x4e: {  	[tilespmem:v4+s17+$0x100 ss:$0x1] =	vst.idx.msk $0xffff, v9  }
0x4f: {  	s18 =	sshra.s32 s19, $0x2;
	v48 =	vmul.f32 $8.333333770e-03, v8;
	v47 =	vadd.f32 $4.166666790e-02, v12;
	[tilespmem:v4+s17+$0x180 ss:$0x1] =	vst.idx.msk $0xffff, v11  }
0x50: {  	v5 =	vld.idx.msk [tilespmem:v5+s18+$0x0 ss:$0x1], $0xffff  }
0x51: {  	v10 =	vadd.f32 $-1.666666720e-01, v48;
	v9 =	vmul.f32 v47, v8;
	_ =	sdelay $0x1  }
0x52: {  	v10 =	vmul.f32 v10, v8;
	v9 =	vadd.f32 $-5.000000000e-01, v9;
	_ =	sdelay $0x1  }
0x53: {  	v50 =	vadd.f32 $1.000000000e+00, v10;
	v49 =	vmul.f32 v9, v8;
	vm0 =	vgt.f32 v5, $0.0e+00  }
0x54: {  	vm1 =	vge.f32 v7, $1.000000000e+00;
	v5 =	vsel vm0, $0x3F733333, v2  }
0x55: {  	v6 =	vmul.f32 v50, v6;
	v51 =	vadd.f32 $1.000000000e+00, v49;
	v52 =	vnsel vm1, $0x0, v5  }
0x56: {  	v5 =	vsub.f32 v5, v52  }
0x57: {  	v54 =	vmul.f32 $7.996846430e-01, v6;
	[tilespmem:v3+s18+$0xFFFFFE80 ss:$0x1] =	vst.idx.msk $0xffff, v52;
	v53 =	vmul.f32 $6.004202370e-01, v51  }
0x58: {  	v6 =	vmul.f32 $6.004202370e-01, v6;
	v7 =	vmul.f32 $7.996846430e-01, v51;
	[tilespmem:v3+s18+$0xFFFFFE00 ss:$0x1] =	vst.idx.msk $0xffff, v5  }
0x59: {  	v55 =	vadd.f32 v53, v54;
	[tilespmem:v3+s18+$0xFFFFFF00 ss:$0x1] =	vst.idx.msk $0xffff, v2  }
0x5a: {  	v6 =	vsub.f32 v7, v6;
	[tilespmem:v3+s18+$0xFFFFFF80 ss:$0x1] =	vst.idx.msk $0xffff, v2  }
0x5b: {  	v56 =	vmul.f32 $0.0e+00, v55;
	[tilespmem:v3+s18+$0x0 ss:$0x1] =	vst.idx.msk $0xffff, v2  }
0x5c: {  	v57 =	vmul.f32 $6.234897970e-01, v6;
	v9 =	vmul.f32 $7.818315030e-01, v55;
	[tilespmem:v3+s18+$0x80 ss:$0x1] =	vst.idx.msk $0xffff, v2  }
0x5d: {  	v58 =	vmul.f32 $-2.225209330e-01, v6;
	v59 =	vmul.f32 $9.749279020e-01, v55;
	[tilespmem:v3+s18+$0x100 ss:$0x1] =	vst.idx.msk $0xffff, v2;
	v7 =	vadd.f32 v56, v6  }
0x5e: {  	v13 =	vmul.f32 $-9.009688490e-01, v6;
	v60 =	vadd.f32 v9, v57;
	[tilespmem:v3+s18+$0x180 ss:$0x1] =	vst.idx.msk $0xffff, v2;
	v3 =	vmul.f32 $4.338837270e-01, v55  }
0x5f: {  	v61 =	vadd.f32 v59, v58;
	[tilespmem:v4+s18+$0xFFFFFE00 ss:$0x1] =	vst.idx.msk $0xffff, v7  }
0x60: {  	s16 =	sadd.s32 $0x1, s16;
	v62 =	vadd.f32 v3, v13;
	[tilespmem:v4+s18+$0xFFFFFE80 ss:$0x1] =	vst.idx.msk $0xffff, v60  }
0x61: {  	p0 =	sne.s32 s16, $0x10;
	v3 =	vsub.f32 v13, v3;
	[tilespmem:v4+s18+$0xFFFFFF00 ss:$0x1] =	vst.idx.msk $0xffff, v61  }
.Ltmp1:
0x62: {  	v5 =	vmul.f32 $-2.449293710e-16, v55;
	v63 =	vsub.f32 v58, v59;
	[tilespmem:v4+s18+$0xFFFFFF80 ss:$0x1] =	vst.idx.msk $0xffff, v62;
	(pc) =	sbr.rel @p0 .LBB2_2-.Ltmp1, $4  }
0x63: {  	v8 =	vsub.f32 v57, v9;
	[tilespmem:v4+s18+$0x0 ss:$0x1] =	vst.idx.msk $0xffff, v3  }
0x64: {  	v3 =	vadd.f32 v5, v6;
	[tilespmem:v4+s18+$0x80 ss:$0x1] =	vst.idx.msk $0xffff, v63  }
0x65: {  	s15 =	sadd.s32 $0x80, s15;
	[tilespmem:v4+s18+$0x100 ss:$0x1] =	vst.idx.msk $0xffff, v8  }
0x66: {  	s14 =	sadd.s32 $0x80, s14;
	s12 =	sadd.s32 $0x400, s12;
	s13 =	sadd.s32 $0x400, s13;
	[tilespmem:v4+s18+$0x180 ss:$0x1] =	vst.idx.msk $0xffff, v3  }
0x67: {  	[hbm4b:s4+s1] =	stream.linear.scatter [tilespmem:s9], [sflag:$0x1], $0x4000, $0x38;
	[tilespmem:$0x8800] =	vst v63  }
0x68: {  	s11 =	sadd.s32 $0x1, s11;
	_ =	swait.ge [sflag:s8], $0x4000  }
0x69: {  	p0 =	sne.s32 s11, s6;
	[sflag:s8] =	ssyncset.done $0x0  }
.Ltmp2:
0x6a: {  	[sflag:s8] =	ssyncadd.s32 $0xFFFFC000;
	(pc) =	sbr.rel @p0 .LBB2_1-.Ltmp2, $4  }
0x6b: {  	[hbm4b:s5+s1] =	stream.linear.scatter [tilespmem:s10], [sflag:$0x1], $0x4000, $0x38;
	[tilespmem:$0x8800] =	vst v63  }
0x6c: {  	_ =	swait.ge [sflag:s8], $0x4000  }
0x6d: {  	[sflag:s8] =	ssyncset.done $0x0  }
0x6e: {  	[sflag:s8] =	ssyncadd.s32 $0xFFFFC000  }
0x6f: {  	_ =	sfence.sel $0x180000  }
0x70: {  	[bflag:$0x0] =	sbarrier.arrive $0xFFFF  }
0x71: {  	p0 =	sne.s32 s2, $0x0;
	_ =	strace $0x90000047  }
0x72: {  	s0 =	sadd.s32 @!p0 $0x100000, s0;
	[bflag:$0x2] =	sbarrier.arrive $0xFFFF  }
0x73: {  	[sflag:s0] =	ssyncadd.tile.s32 @!p0 $0x1;
	_ =	shalt  }
.Lfunc_end2:
_tile_overlayer_lowered:
.L_overlay_start_2:
0x74: {  	(tag) =	ssettag $0x2  }
0x75: {  	s0 =	rddreg [dreg:$0x0];
	s2 =	stileid.u32  }
0x76: {  	s1 =	rddreg [dreg:$0x1];
	p0 =	sne.s32 s2, $0x0  }
0x77: {  	s3 =	rddreg [dreg:$0x2];
	[bflag:$0x3] =	sbarrier.arrive $0xFFFF;
	s2 =	simm.s32 @!p0 $0x1C02  }
0x78: {  	[timem:s3], [sflag:s2] =	dma.local @!p0 [hbm:s0], s1  }
0x79: {  	s0 =	simm.s32 @!p0 $0x2  }
0x7a: {  	_ =	swait.ge @!p0 [sflag:s0], s1  }
0x7b: {  	s1 =	ssub.s32 @!p0 $0x0, s1;
	[sflag:s0] =	ssyncset.done @!p0 $0x0  }
0x7c: {  	[sflag:s0] =	ssyncadd.s32 @!p0 s1  }
0x7d: {  	[bflag:$0x3] =	sbarrier.arrive $0xFFFF  }
0x7e: {  	_ =	shalt  }

</sc_bundles>
